<compile_context>
chip_gen: v7x
topology: tpu7x:2x2x1
jax: 0.10.2.dev20260603
libtpu: 0.0.44.dev20260713+nightly
codegen_flags: <defaults>
</compile_context>

<pallas_src>
import functools

import jax
import jax.numpy as jnp
from jax import lax
from jax.experimental import pallas as pl
from jax.experimental.pallas import tpu as pltpu
from jax.experimental.pallas import tpu_sc as plsc

N_CLS = 91
N_WORKERS = 32
ROWS_PER_W = 1000
N_ELEM = ROWS_PER_W * 4
PAD_SLOTS = 4096
BLK = 16
RPAD = 1024


def _worker(tci_hbm, tb_hbm, table_hbm, out_hbm,
            tci_v, idx_v, f_v, rows_v, tb_v, part_v, sem):
    wid = lax.axis_index("c") * 16 + lax.axis_index("s")
    row0 = wid * ROWS_PER_W

    pltpu.sync_copy(tci_hbm.at[pl.ds(row0, ROWS_PER_W)], tci_v)
    for k in range(4):
        pltpu.sync_copy(
            tb_hbm.at[pl.ds((wid * 4 + k) * ROWS_PER_W, ROWS_PER_W)],
            tb_v.at[pl.ds(k * RPAD, ROWS_PER_W)],
        )

    iota = lax.iota(jnp.int32, 16)
    base = wid * (N_CLS * 4 * ROWS_PER_W)

    def flat_of(r, k):
        t = plsc.load_gather(tci_v, [r])
        cls = jnp.clip(t, 0, N_CLS - 1)
        return base + cls * (4 * ROWS_PER_W) + k * ROWS_PER_W + r, t

    def idx_body(j, carry):
        s = j * 16 + iota
        r = s >> 2
        rc = jnp.minimum(r, ROWS_PER_W - 1)
        f, t = flat_of(rc, s & 3)
        idx_v[pl.ds(pl.multiple_of(j * 16, 16), 16)] = f >> 4
        live = jnp.logical_and(t > 0, r < ROWS_PER_W)
        f_v[pl.ds(pl.multiple_of(j * 16, 16), 16)] = jnp.where(live, f, -1)
        return carry

    lax.fori_loop(0, PAD_SLOTS // 16, idx_body, 0)

    pltpu.async_copy(table_hbm.at[idx_v], rows_v, sem).wait()

    zero = jnp.zeros((16,), jnp.float32)

    def body(j, carry):
        a, n = carry
        s = j * 16 + iota
        f = f_v[pl.ds(pl.multiple_of(j * 16, 16), 16)]
        m = f >= 0
        sel = plsc.load_gather(rows_v, [s, f & (BLK - 1)])
        tb = plsc.load_gather(tb_v, [(s & 3) * RPAD + (s >> 2)])
        d = jnp.abs(tb - sel)
        l = jnp.where(d < 1.0, 0.5 * d * d, d - 0.5)
        a = a + jnp.where(m, l, 0.0)
        n = n + jnp.where(m, 1.0, 0.0)
        return a, n

    acc, cnt = lax.fori_loop(0, PAD_SLOTS // 16, body, (zero, zero))

    part_v[0, :] = acc
    part_v[1, :] = cnt
    pltpu.sync_copy(part_v, out_hbm.at[wid])


@jax.jit
def _sc_loss(tci, tb, table):
    mesh = plsc.VectorSubcoreMesh(core_axis_name="c", subcore_axis_name="s")
    run = functools.partial(
        pl.kernel,
        mesh=mesh,
        compiler_params=pltpu.CompilerParams(
            needs_layout_passes=False, use_tc_tiling_on_sc=False
        ),
        out_type=jax.ShapeDtypeStruct((N_WORKERS, 2, 16), jnp.float32),
        scratch_types=[
            pltpu.VMEM((ROWS_PER_W,), jnp.int32),
            pltpu.VMEM((PAD_SLOTS,), jnp.int32),
            pltpu.VMEM((PAD_SLOTS,), jnp.int32),
            pltpu.VMEM((PAD_SLOTS, BLK), jnp.float32),
            pltpu.VMEM((4 * RPAD,), jnp.float32),
            pltpu.VMEM((2, 16), jnp.float32),
            pltpu.SemaphoreType.DMA,
        ],
    )(_worker)
    return run(tci, tb, table)


def kernel(target_bbox, target_class_ids, pred_bbox):
    tci = target_class_ids.reshape(-1).astype(jnp.int32)
    tb = jnp.transpose(target_bbox, (0, 2, 1)).reshape(-1)
    table = jnp.transpose(pred_bbox, (0, 2, 3, 1)).reshape(-1, BLK)
    parts = _sc_loss(tci, tb, table)
    total = parts[:, 0, :].sum()
    count = parts[:, 1, :].sum()
    return total / count

# --- scband reference (transcript-rebuilt; emitter-appended) ---
"""Pipeline reference for scband-mrcnnbbox-loss-graph-7584912245184 (READ-ONLY COPY).

The authoritative reference and input builder live on the scoring server;
editing this copy changes nothing except your own understanding.
"""

import jax, jax.numpy as jnp
import numpy as np


def setup_inputs(seed: int = 0) -> dict:
    key = jax.random.key(seed)
    k1, k2, k3 = jax.random.split(key, 3)
    target_bbox = jax.random.normal(k1, (32, 1000, 4), dtype=jnp.float32)
    target_class_ids = jax.random.randint(k2, (32, 1000), 0, 91, dtype=jnp.int64)
    pred_bbox = jax.random.normal(k3, (32, 1000, 91, 4), dtype=jnp.float32)
    return {
        "target_bbox": target_bbox,
        "target_class_ids": target_class_ids,
        "pred_bbox": pred_bbox,
    }


def _smooth_l1(y_true, y_pred):
    diff = jnp.abs(y_true - y_pred)
    less_than_one = (diff < 1.0).astype(y_true.dtype)
    return less_than_one * 0.5 * diff * diff + (1.0 - less_than_one) * (diff - 0.5)


def reference(target_bbox, target_class_ids, pred_bbox):
    num_classes = pred_bbox.shape[2]
    tci = target_class_ids.reshape(-1)
    tb = target_bbox.reshape(-1, 4)
    pb = pred_bbox.reshape(-1, num_classes, 4)

    # Positive ROIs are those with class id > 0. The original code gathers the
    # positive rows dynamically; here we use a mask (same math) so shapes are static.
    pos_mask = tci > 0
    cls = jnp.where(pos_mask, tci, 0).astype(jnp.int32)

    # Gather the predicted bbox deltas for the target class of each ROI.
    pred_sel = jnp.take_along_axis(pb, cls[:, None, None], axis=1)[:, 0, :]  # [N, 4]

    loss = _smooth_l1(tb, pred_sel)  # [N, 4]
    maskf = pos_mask.astype(loss.dtype)[:, None]

    # K.mean over the gathered [P, 4] tensor == sum(masked loss) / (P * 4)
    total = jnp.sum(loss * maskf)
    count = jnp.sum(maskf) * 4.0
    return total / count

if __name__ == "__main__":
    import jax
    _d = setup_inputs()
    print(jax.jit(kernel)(*tuple(_d.values())))

</pallas_src>

<mosaic_0001>
#map = affine_map<(d0, d1) -> (0)>
#map1 = affine_map<(d0, d1) -> (0, 0)>
#map2 = affine_map<(d0, d1) -> (0, 0, 0)>
module attributes {stable_mosaic.version = 14 : i64} {
  func.func @_worker(%arg0: i32, %arg1: i32, %arg2: memref<32000xi32, #tpu.memory_space<hbm>>, %arg3: memref<128000xf32, #tpu.memory_space<hbm>>, %arg4: memref<728000x16xf32, #tpu.memory_space<hbm>>, %arg5: memref<32x2x16xf32, #tpu.memory_space<hbm>>, %arg6: memref<1000xi32, #tpu.memory_space<vmem>>, %arg7: memref<4096xi32, #tpu.memory_space<vmem>>, %arg8: memref<4096xi32, #tpu.memory_space<vmem>>, %arg9: memref<4096x16xf32, #tpu.memory_space<vmem>>, %arg10: memref<4096xf32, #tpu.memory_space<vmem>>, %arg11: memref<2x16xf32, #tpu.memory_space<vmem>>, %arg12: memref<!tpu.dma_semaphore, #tpu.memory_space<semaphore_mem>>) attributes {dimension_semantics = [#tpu.dimension_semantics<core_parallel>, #tpu.dimension_semantics<subcore_parallel>], iteration_bounds = array<i64: 2, 16>, scalar_prefetch = 0 : i64, scratch_operands = 7 : i64, tpu.core_type = #tpu.core_type<sc_vector_subcore>, window_params = [{transform_indices = #map}, {transform_indices = #map}, {transform_indices = #map1}, {transform_indices = #map2}]} {
    %mul3A = arith.constant 16 : i32
    %mul3A_0 = arith.muli %arg0, %mul3A : i32
    %add3A = arith.addi %mul3A_0, %arg1 : i32
    %mul3A_1 = arith.constant 1000 : i32
    %mul3A_2 = arith.muli %add3A, %mul3A_1 : i32
    "tpu.region"() ({
      %run_scoped3A = tpu.sem_alloc : memref<!tpu.dma_semaphore, #tpu.memory_space<semaphore_mem>>
      %dma_start3A_52 = tpu.memref_slice %arg2[%mul3A_2] : memref<32000xi32, #tpu.memory_space<hbm>> -> memref<1000xi32, #tpu.memory_space<hbm>>
      %dma_start3A_53 = tpu.memref_slice %arg2[%mul3A_2] : memref<32000xi32, #tpu.memory_space<hbm>> -> memref<1000xi32, #tpu.memory_space<hbm>>
      tpu.enqueue_dma source(%dma_start3A_53 : memref<1000xi32, #tpu.memory_space<hbm>>) target(%arg6 : memref<1000xi32, #tpu.memory_space<vmem>>) target_semaphore(%run_scoped3A : memref<!tpu.dma_semaphore, #tpu.memory_space<semaphore_mem>>)
      %dma_wait3A_54 = tpu.memref_slice %arg2[%mul3A_2] : memref<32000xi32, #tpu.memory_space<hbm>> -> memref<1000xi32, #tpu.memory_space<hbm>>
      %dma_wait3A_55 = tpu.memref_slice %arg2[%mul3A_2] : memref<32000xi32, #tpu.memory_space<hbm>> -> memref<1000xi32, #tpu.memory_space<hbm>>
      tpu.wait_dma2 semaphore(%run_scoped3A : memref<!tpu.dma_semaphore, #tpu.memory_space<semaphore_mem>>) src(%dma_wait3A_55 : memref<1000xi32, #tpu.memory_space<hbm>>) dst(%arg6 : memref<1000xi32, #tpu.memory_space<vmem>>)
      tpu.yield
    }) : () -> ()
    %mul3A_3 = arith.constant 4 : i32
    %mul3A_4 = arith.muli %add3A, %mul3A_3 : i32
    %add3A_5 = arith.constant 0 : i32
    %add3A_6 = arith.addi %mul3A_4, %add3A_5 : i32
    %mul3A_7 = arith.constant 1000 : i32
    %mul3A_8 = arith.muli %add3A_6, %mul3A_7 : i32
    "tpu.region"() ({
      %run_scoped3A = tpu.sem_alloc : memref<!tpu.dma_semaphore, #tpu.memory_space<semaphore_mem>>
      %dma_start3A_52 = arith.constant 0 : i32
      %dma_start3A_53 = tpu.memref_slice %arg10[%dma_start3A_52] : memref<4096xf32, #tpu.memory_space<vmem>> -> memref<1000xf32, #tpu.memory_space<vmem>>
      %dma_start3A_54 = tpu.memref_slice %arg3[%mul3A_8] : memref<128000xf32, #tpu.memory_space<hbm>> -> memref<1000xf32, #tpu.memory_space<hbm>>
      %dma_start3A_55 = arith.constant 0 : i32
      %dma_start3A_56 = tpu.memref_slice %arg10[%dma_start3A_55] : memref<4096xf32, #tpu.memory_space<vmem>> -> memref<1000xf32, #tpu.memory_space<vmem>>
      %dma_start3A_57 = tpu.memref_slice %arg3[%mul3A_8] : memref<128000xf32, #tpu.memory_space<hbm>> -> memref<1000xf32, #tpu.memory_space<hbm>>
      tpu.enqueue_dma source(%dma_start3A_57 : memref<1000xf32, #tpu.memory_space<hbm>>) target(%dma_start3A_56 : memref<1000xf32, #tpu.memory_space<vmem>>) target_semaphore(%run_scoped3A : memref<!tpu.dma_semaphore, #tpu.memory_space<semaphore_mem>>)
      %dma_wait3A_58 = arith.constant 0 : i32
      %dma_wait3A_59 = tpu.memref_slice %arg10[%dma_wait3A_58] : memref<4096xf32, #tpu.memory_space<vmem>> -> memref<1000xf32, #tpu.memory_space<vmem>>
      %dma_wait3A_60 = tpu.memref_slice %arg3[%mul3A_8] : memref<128000xf32, #tpu.memory_space<hbm>> -> memref<1000xf32, #tpu.memory_space<hbm>>
      %dma_wait3A_61 = arith.constant 0 : i32
      %dma_wait3A_62 = tpu.memref_slice %arg10[%dma_wait3A_61] : memref<4096xf32, #tpu.memory_space<vmem>> -> memref<1000xf32, #tpu.memory_space<vmem>>
      %dma_wait3A_63 = tpu.memref_slice %arg3[%mul3A_8] : memref<128000xf32, #tpu.memory_space<hbm>> -> memref<1000xf32, #tpu.memory_space<hbm>>
      tpu.wait_dma2 semaphore(%run_scoped3A : memref<!tpu.dma_semaphore, #tpu.memory_space<semaphore_mem>>) src(%dma_wait3A_63 : memref<1000xf32, #tpu.memory_space<hbm>>) dst(%dma_wait3A_62 : memref<1000xf32, #tpu.memory_space<vmem>>)
      tpu.yield
    }) : () -> ()
    %mul3A_9 = arith.constant 4 : i32
    %mul3A_10 = arith.muli %add3A, %mul3A_9 : i32
    %add3A_11 = arith.constant 1 : i32
    %add3A_12 = arith.addi %mul3A_10, %add3A_11 : i32
    %mul3A_13 = arith.constant 1000 : i32
    %mul3A_14 = arith.muli %add3A_12, %mul3A_13 : i32
    "tpu.region"() ({
      %run_scoped3A = tpu.sem_alloc : memref<!tpu.dma_semaphore, #tpu.memory_space<semaphore_mem>>
      %dma_start3A_52 = arith.constant 1024 : i32
      %dma_start3A_53 = tpu.memref_slice %arg10[%dma_start3A_52] : memref<4096xf32, #tpu.memory_space<vmem>> -> memref<1000xf32, #tpu.memory_space<vmem>>
      %dma_start3A_54 = tpu.memref_slice %arg3[%mul3A_14] : memref<128000xf32, #tpu.memory_space<hbm>> -> memref<1000xf32, #tpu.memory_space<hbm>>
      %dma_start3A_55 = arith.constant 1024 : i32
      %dma_start3A_56 = tpu.memref_slice %arg10[%dma_start3A_55] : memref<4096xf32, #tpu.memory_space<vmem>> -> memref<1000xf32, #tpu.memory_space<vmem>>
      %dma_start3A_57 = tpu.memref_slice %arg3[%mul3A_14] : memref<128000xf32, #tpu.memory_space<hbm>> -> memref<1000xf32, #tpu.memory_space<hbm>>
      tpu.enqueue_dma source(%dma_start3A_57 : memref<1000xf32, #tpu.memory_space<hbm>>) target(%dma_start3A_56 : memref<1000xf32, #tpu.memory_space<vmem>>) target_semaphore(%run_scoped3A : memref<!tpu.dma_semaphore, #tpu.memory_space<semaphore_mem>>)
      %dma_wait3A_58 = arith.constant 1024 : i32
      %dma_wait3A_59 = tpu.memref_slice %arg10[%dma_wait3A_58] : memref<4096xf32, #tpu.memory_space<vmem>> -> memref<1000xf32, #tpu.memory_space<vmem>>
      %dma_wait3A_60 = tpu.memref_slice %arg3[%mul3A_14] : memref<128000xf32, #tpu.memory_space<hbm>> -> memref<1000xf32, #tpu.memory_space<hbm>>
      %dma_wait3A_61 = arith.constant 1024 : i32
      %dma_wait3A_62 = tpu.memref_slice %arg10[%dma_wait3A_61] : memref<4096xf32, #tpu.memory_space<vmem>> -> memref<1000xf32, #tpu.memory_space<vmem>>
      %dma_wait3A_63 = tpu.memref_slice %arg3[%mul3A_14] : memref<128000xf32, #tpu.memory_space<hbm>> -> memref<1000xf32, #tpu.memory_space<hbm>>
      tpu.wait_dma2 semaphore(%run_scoped3A : memref<!tpu.dma_semaphore, #tpu.memory_space<semaphore_mem>>) src(%dma_wait3A_63 : memref<1000xf32, #tpu.memory_space<hbm>>) dst(%dma_wait3A_62 : memref<1000xf32, #tpu.memory_space<vmem>>)
      tpu.yield
    }) : () -> ()
    %mul3A_15 = arith.constant 4 : i32
    %mul3A_16 = arith.muli %add3A, %mul3A_15 : i32
    %add3A_17 = arith.constant 2 : i32
    %add3A_18 = arith.addi %mul3A_16, %add3A_17 : i32
    %mul3A_19 = arith.constant 1000 : i32
    %mul3A_20 = arith.muli %add3A_18, %mul3A_19 : i32
    "tpu.region"() ({
      %run_scoped3A = tpu.sem_alloc : memref<!tpu.dma_semaphore, #tpu.memory_space<semaphore_mem>>
      %dma_start3A_52 = arith.constant 2048 : i32
      %dma_start3A_53 = tpu.memref_slice %arg10[%dma_start3A_52] : memref<4096xf32, #tpu.memory_space<vmem>> -> memref<1000xf32, #tpu.memory_space<vmem>>
      %dma_start3A_54 = tpu.memref_slice %arg3[%mul3A_20] : memref<128000xf32, #tpu.memory_space<hbm>> -> memref<1000xf32, #tpu.memory_space<hbm>>
      %dma_start3A_55 = arith.constant 2048 : i32
      %dma_start3A_56 = tpu.memref_slice %arg10[%dma_start3A_55] : memref<4096xf32, #tpu.memory_space<vmem>> -> memref<1000xf32, #tpu.memory_space<vmem>>
      %dma_start3A_57 = tpu.memref_slice %arg3[%mul3A_20] : memref<128000xf32, #tpu.memory_space<hbm>> -> memref<1000xf32, #tpu.memory_space<hbm>>
      tpu.enqueue_dma source(%dma_start3A_57 : memref<1000xf32, #tpu.memory_space<hbm>>) target(%dma_start3A_56 : memref<1000xf32, #tpu.memory_space<vmem>>) target_semaphore(%run_scoped3A : memref<!tpu.dma_semaphore, #tpu.memory_space<semaphore_mem>>)
      %dma_wait3A_58 = arith.constant 2048 : i32
      %dma_wait3A_59 = tpu.memref_slice %arg10[%dma_wait3A_58] : memref<4096xf32, #tpu.memory_space<vmem>> -> memref<1000xf32, #tpu.memory_space<vmem>>
      %dma_wait3A_60 = tpu.memref_slice %arg3[%mul3A_20] : memref<128000xf32, #tpu.memory_space<hbm>> -> memref<1000xf32, #tpu.memory_space<hbm>>
      %dma_wait3A_61 = arith.constant 2048 : i32
      %dma_wait3A_62 = tpu.memref_slice %arg10[%dma_wait3A_61] : memref<4096xf32, #tpu.memory_space<vmem>> -> memref<1000xf32, #tpu.memory_space<vmem>>
      %dma_wait3A_63 = tpu.memref_slice %arg3[%mul3A_20] : memref<128000xf32, #tpu.memory_space<hbm>> -> memref<1000xf32, #tpu.memory_space<hbm>>
      tpu.wait_dma2 semaphore(%run_scoped3A : memref<!tpu.dma_semaphore, #tpu.memory_space<semaphore_mem>>) src(%dma_wait3A_63 : memref<1000xf32, #tpu.memory_space<hbm>>) dst(%dma_wait3A_62 : memref<1000xf32, #tpu.memory_space<vmem>>)
      tpu.yield
    }) : () -> ()
    %mul3A_21 = arith.constant 4 : i32
    %mul3A_22 = arith.muli %add3A, %mul3A_21 : i32
    %add3A_23 = arith.constant 3 : i32
    %add3A_24 = arith.addi %mul3A_22, %add3A_23 : i32
    %mul3A_25 = arith.constant 1000 : i32
    %mul3A_26 = arith.muli %add3A_24, %mul3A_25 : i32
    "tpu.region"() ({
      %run_scoped3A = tpu.sem_alloc : memref<!tpu.dma_semaphore, #tpu.memory_space<semaphore_mem>>
      %dma_start3A_52 = arith.constant 3072 : i32
      %dma_start3A_53 = tpu.memref_slice %arg10[%dma_start3A_52] : memref<4096xf32, #tpu.memory_space<vmem>> -> memref<1000xf32, #tpu.memory_space<vmem>>
      %dma_start3A_54 = tpu.memref_slice %arg3[%mul3A_26] : memref<128000xf32, #tpu.memory_space<hbm>> -> memref<1000xf32, #tpu.memory_space<hbm>>
      %dma_start3A_55 = arith.constant 3072 : i32
      %dma_start3A_56 = tpu.memref_slice %arg10[%dma_start3A_55] : memref<4096xf32, #tpu.memory_space<vmem>> -> memref<1000xf32, #tpu.memory_space<vmem>>
      %dma_start3A_57 = tpu.memref_slice %arg3[%mul3A_26] : memref<128000xf32, #tpu.memory_space<hbm>> -> memref<1000xf32, #tpu.memory_space<hbm>>
      tpu.enqueue_dma source(%dma_start3A_57 : memref<1000xf32, #tpu.memory_space<hbm>>) target(%dma_start3A_56 : memref<1000xf32, #tpu.memory_space<vmem>>) target_semaphore(%run_scoped3A : memref<!tpu.dma_semaphore, #tpu.memory_space<semaphore_mem>>)
      %dma_wait3A_58 = arith.constant 3072 : i32
      %dma_wait3A_59 = tpu.memref_slice %arg10[%dma_wait3A_58] : memref<4096xf32, #tpu.memory_space<vmem>> -> memref<1000xf32, #tpu.memory_space<vmem>>
      %dma_wait3A_60 = tpu.memref_slice %arg3[%mul3A_26] : memref<128000xf32, #tpu.memory_space<hbm>> -> memref<1000xf32, #tpu.memory_space<hbm>>
      %dma_wait3A_61 = arith.constant 3072 : i32
      %dma_wait3A_62 = tpu.memref_slice %arg10[%dma_wait3A_61] : memref<4096xf32, #tpu.memory_space<vmem>> -> memref<1000xf32, #tpu.memory_space<vmem>>
      %dma_wait3A_63 = tpu.memref_slice %arg3[%mul3A_26] : memref<128000xf32, #tpu.memory_space<hbm>> -> memref<1000xf32, #tpu.memory_space<hbm>>
      tpu.wait_dma2 semaphore(%run_scoped3A : memref<!tpu.dma_semaphore, #tpu.memory_space<semaphore_mem>>) src(%dma_wait3A_63 : memref<1000xf32, #tpu.memory_space<hbm>>) dst(%dma_wait3A_62 : memref<1000xf32, #tpu.memory_space<vmem>>)
      tpu.yield
    }) : () -> ()
    %iota3A = tpu.iota {dimensions = array<i32: 0>} : vector<16xi32>
    %mul3A_27 = arith.constant 364000 : i32
    %mul3A_28 = arith.muli %add3A, %mul3A_27 : i32
    %scan3A = arith.constant 0 : i32
    %scan3A_29 = arith.constant 0 : i32
    %scan3A_30 = arith.constant 256 : i32
    %scan3A_31 = arith.addi %scan3A_29, %scan3A_30 : i32
    %scan3A_32 = arith.constant 1 : i32
    scf.for %scan3A_52 = %scan3A_29 to %scan3A_31 step %scan3A_32  : i32 {
      %mul3A_53 = arith.constant 16 : i32
      %mul3A_54 = arith.muli %scan3A_52, %mul3A_53 : i32
      %add3A_55 = vector.broadcast %mul3A_54 : i32 to vector<16xi32>
      %add3A_56 = arith.addi %add3A_55, %iota3A : vector<16xi32>
      %shift_right_arithmetic3A = arith.constant 2 : i32
      %shift_right_arithmetic3A_57 = vector.broadcast %shift_right_arithmetic3A : i32 to vector<16xi32>
      %shift_right_arithmetic3A_58 = arith.shrsi %add3A_56, %shift_right_arithmetic3A_57 : vector<16xi32>
      %min3A = arith.constant 999 : i32
      %min3A_59 = vector.broadcast %min3A : i32 to vector<16xi32>
      %min3A_60 = arith.minsi %shift_right_arithmetic3A_58, %min3A_59 : vector<16xi32>
      %and3A = arith.constant 3 : i32
      %and3A_61 = vector.broadcast %and3A : i32 to vector<16xi32>
      %and3A_62 = arith.andi %add3A_56, %and3A_61 : vector<16xi32>
      %gather3A = tpu.vector_load_idx %arg6[%min3A_60] : memref<1000xi32, #tpu.memory_space<vmem>>[vector<16xi32>], vector<16xi32>,
      %jit3A = arith.constant 0 : i32
      %jit3A_63 = arith.constant 90 : i32
      %max3A = vector.broadcast %jit3A : i32 to vector<16xi32>
      %max3A_64 = arith.maxsi %max3A, %gather3A : vector<16xi32>
      %min3A_65 = vector.broadcast %jit3A_63 : i32 to vector<16xi32>
      %min3A_66 = arith.minsi %min3A_65, %max3A_64 : vector<16xi32>
      %mul3A_67 = arith.constant 4000 : i32
      %mul3A_68 = vector.broadcast %mul3A_67 : i32 to vector<16xi32>
      %mul3A_69 = arith.muli %min3A_66, %mul3A_68 : vector<16xi32>
      %add3A_70 = vector.broadcast %mul3A_28 : i32 to vector<16xi32>
      %add3A_71 = arith.addi %add3A_70, %mul3A_69 : vector<16xi32>
      %mul3A_72 = arith.constant 1000 : i32
      %mul3A_73 = vector.broadcast %mul3A_72 : i32 to vector<16xi32>
      %mul3A_74 = arith.muli %and3A_62, %mul3A_73 : vector<16xi32>
      %add3A_75 = arith.addi %add3A_71, %mul3A_74 : vector<16xi32>
      %add3A_76 = arith.addi %add3A_75, %min3A_60 : vector<16xi32>
      %shift_right_arithmetic3A_77 = arith.constant 4 : i32
      %shift_right_arithmetic3A_78 = vector.broadcast %shift_right_arithmetic3A_77 : i32 to vector<16xi32>
      %shift_right_arithmetic3A_79 = arith.shrsi %add3A_76, %shift_right_arithmetic3A_78 : vector<16xi32>
      %mul3A_80 = arith.constant 16 : i32
      %mul3A_81 = arith.muli %scan3A_52, %mul3A_80 : i32
      %multiple_of3A = tpu.assume_multiple %mul3A_81, 16 : i32
      %swap3A_82 = arith.index_cast %multiple_of3A : i32 to index
      %swap3A_83 = tpu.vector_load %arg7[%swap3A_82] {strides = array<i32>} : memref<4096xi32, #tpu.memory_space<vmem>>, vector<16xi32>,
      tpu.vector_store %arg7[%swap3A_82], %shift_right_arithmetic3A_79 {strides = array<i32>} : memref<4096xi32, #tpu.memory_space<vmem>>, vector<16xi32>,
      %gt3A = arith.constant 0 : i32
      %gt3A_84 = vector.broadcast %gt3A : i32 to vector<16xi32>
      %gt3A_85 = arith.cmpi sgt, %gather3A, %gt3A_84 : vector<16xi32>
      %lt3A = arith.constant 1000 : i32
      %lt3A_86 = vector.broadcast %lt3A : i32 to vector<16xi32>
      %lt3A_87 = arith.cmpi slt, %shift_right_arithmetic3A_58, %lt3A_86 : vector<16xi32>
      %and3A_88 = arith.andi %gt3A_85, %lt3A_87 : vector<16xi1>
      %jit3A_89 = arith.constant -1 : i32
      %broadcast_in_dim3A_90 = vector.broadcast %jit3A_89 : i32 to vector<16xi32>
      %select_n3A = arith.select %and3A_88, %add3A_76, %broadcast_in_dim3A_90 : vector<16xi1>, vector<16xi32>
      %mul3A_91 = arith.constant 16 : i32
      %mul3A_92 = arith.muli %scan3A_52, %mul3A_91 : i32
      %multiple_of3A_93 = tpu.assume_multiple %mul3A_92, 16 : i32
      %swap3A_94 = arith.index_cast %multiple_of3A_93 : i32 to index
      %swap3A_95 = tpu.vector_load %arg8[%swap3A_94] {strides = array<i32>} : memref<4096xi32, #tpu.memory_space<vmem>>, vector<16xi32>,
      tpu.vector_store %arg8[%swap3A_94], %select_n3A {strides = array<i32>} : memref<4096xi32, #tpu.memory_space<vmem>>, vector<16xi32>,
    }
    %scan3A_33 = arith.constant 256 : i32
    %dma_start3A = arith.constant 0 : i32
    %dma_start3A_34 = arith.constant 0 : i32
    %dma_start3A_35 = tpu.memref_slice %arg4[%dma_start3A, %dma_start3A_34] : memref<728000x16xf32, #tpu.memory_space<hbm>> -> memref<728000x16xf32, #tpu.memory_space<hbm>>
    tpu.enqueue_indirect_dma source(%dma_start3A_35 : memref<728000x16xf32, #tpu.memory_space<hbm>>) target(%arg9 : memref<4096x16xf32, #tpu.memory_space<vmem>>) offsets(%arg7 : memref<4096xi32, #tpu.memory_space<vmem>>) semaphore(%arg12 : memref<!tpu.dma_semaphore, #tpu.memory_space<semaphore_mem>>)
    %dma_wait3A = arith.constant 0 : i32
    %dma_wait3A_36 = arith.constant 0 : i32
    %dma_wait3A_37 = tpu.memref_slice %arg4[%dma_wait3A, %dma_wait3A_36] : memref<728000x16xf32, #tpu.memory_space<hbm>> -> memref<728000x16xf32, #tpu.memory_space<hbm>>
    tpu.wait_indirect_dma semaphore(%arg12 : memref<!tpu.dma_semaphore, #tpu.memory_space<semaphore_mem>>) src(%dma_wait3A_37 : memref<728000x16xf32, #tpu.memory_space<hbm>>) dst(%arg9 : memref<4096x16xf32, #tpu.memory_space<vmem>>)
    %broadcast_in_dim3A = arith.constant 0.000000e+00 : f32
    %broadcast_in_dim3A_38 = vector.broadcast %broadcast_in_dim3A : f32 to vector<16xf32>
    %scan3A_39 = arith.constant 0 : i32
    %scan3A_40 = arith.constant 256 : i32
    %scan3A_41 = arith.addi %scan3A_39, %scan3A_40 : i32
    %scan3A_42 = arith.constant 1 : i32
    %scan3A_43:2 = scf.for %scan3A_52 = %scan3A_39 to %scan3A_41 step %scan3A_42 iter_args(%scan3A_53 = %broadcast_in_dim3A_38, %scan3A_54 = %broadcast_in_dim3A_38) -> (vector<16xf32>, vector<16xf32>)  : i32 {
      %mul3A_55 = arith.constant 16 : i32
      %mul3A_56 = arith.muli %scan3A_52, %mul3A_55 : i32
      %add3A_57 = vector.broadcast %mul3A_56 : i32 to vector<16xi32>
      %add3A_58 = arith.addi %add3A_57, %iota3A : vector<16xi32>
      %mul3A_59 = arith.constant 16 : i32
      %mul3A_60 = arith.muli %scan3A_52, %mul3A_59 : i32
      %multiple_of3A = tpu.assume_multiple %mul3A_60, 16 : i32
      %get3A = arith.index_cast %multiple_of3A : i32 to index
      %get3A_61 = tpu.vector_load %arg8[%get3A] {strides = array<i32>} : memref<4096xi32, #tpu.memory_space<vmem>>, vector<16xi32>,
      %ge3A = arith.constant 0 : i32
      %ge3A_62 = vector.broadcast %ge3A : i32 to vector<16xi32>
      %ge3A_63 = arith.cmpi sge, %get3A_61, %ge3A_62 : vector<16xi32>
      %and3A = arith.constant 15 : i32
      %and3A_64 = vector.broadcast %and3A : i32 to vector<16xi32>
      %and3A_65 = arith.andi %get3A_61, %and3A_64 : vector<16xi32>
      %gather3A = tpu.vector_load_idx %arg9[%add3A_58, %and3A_65] : memref<4096x16xf32, #tpu.memory_space<vmem>>[vector<16xi32>, vector<16xi32>], vector<16xf32>,
      %and3A_66 = arith.constant 3 : i32
      %and3A_67 = vector.broadcast %and3A_66 : i32 to vector<16xi32>
      %and3A_68 = arith.andi %add3A_58, %and3A_67 : vector<16xi32>
      %mul3A_69 = arith.constant 1024 : i32
      %mul3A_70 = vector.broadcast %mul3A_69 : i32 to vector<16xi32>
      %mul3A_71 = arith.muli %and3A_68, %mul3A_70 : vector<16xi32>
      %shift_right_arithmetic3A = arith.constant 2 : i32
      %shift_right_arithmetic3A_72 = vector.broadcast %shift_right_arithmetic3A : i32 to vector<16xi32>
      %shift_right_arithmetic3A_73 = arith.shrsi %add3A_58, %shift_right_arithmetic3A_72 : vector<16xi32>
      %add3A_74 = arith.addi %mul3A_71, %shift_right_arithmetic3A_73 : vector<16xi32>
      %gather3A_75 = tpu.vector_load_idx %arg10[%add3A_74] : memref<4096xf32, #tpu.memory_space<vmem>>[vector<16xi32>], vector<16xf32>,
      %sub3A = arith.subf %gather3A_75, %gather3A : vector<16xf32>
      %abs3A = math.absf %sub3A : vector<16xf32>
      %lt3A = arith.constant 1.000000e+00 : f32
      %lt3A_76 = vector.broadcast %lt3A : f32 to vector<16xf32>
      %lt3A_77 = arith.cmpf olt, %abs3A, %lt3A_76 : vector<16xf32>
      %mul3A_78 = arith.constant 5.000000e-01 : f32
      %mul3A_79 = vector.broadcast %mul3A_78 : f32 to vector<16xf32>
      %mul3A_80 = arith.mulf %mul3A_79, %abs3A : vector<16xf32>
      %mul3A_81 = arith.mulf %mul3A_80, %abs3A : vector<16xf32>
      %sub3A_82 = arith.constant 5.000000e-01 : f32
      %sub3A_83 = vector.broadcast %sub3A_82 : f32 to vector<16xf32>
      %sub3A_84 = arith.subf %abs3A, %sub3A_83 : vector<16xf32>
      %select_n3A = arith.select %lt3A_77, %mul3A_81, %sub3A_84 : vector<16xi1>, vector<16xf32>
      %jit3A = arith.constant 0.000000e+00 : f32
      %broadcast_in_dim3A_85 = vector.broadcast %jit3A : f32 to vector<16xf32>
      %select_n3A_86 = arith.select %ge3A_63, %select_n3A, %broadcast_in_dim3A_85 : vector<16xi1>, vector<16xf32>
      %add3A_87 = arith.addf %scan3A_53, %select_n3A_86 : vector<16xf32>
      %jit3A_88 = arith.constant 1.000000e+00 : f32
      %jit3A_89 = arith.constant 0.000000e+00 : f32
      %broadcast_in_dim3A_90 = vector.broadcast %jit3A_88 : f32 to vector<16xf32>
      %broadcast_in_dim3A_91 = vector.broadcast %jit3A_89 : f32 to vector<16xf32>
      %select_n3A_92 = arith.select %ge3A_63, %broadcast_in_dim3A_90, %broadcast_in_dim3A_91 : vector<16xi1>, vector<16xf32>
      %add3A_93 = arith.addf %scan3A_54, %select_n3A_92 : vector<16xf32>
      scf.yield %add3A_87, %add3A_93 : vector<16xf32>, vector<16xf32>
    }
    %scan3A_44 = arith.constant 256 : i32
    %swap3A = arith.constant 0 : i32
    %swap3A_45 = arith.index_cast %swap3A : i32 to index
    %swap3A_46 = arith.constant 0 : index
    %swap3A_47 = tpu.vector_load %arg11[%swap3A_45, %swap3A_46] {strides = array<i32>} : memref<2x16xf32, #tpu.memory_space<vmem>>, vector<16xf32>,
    tpu.vector_store %arg11[%swap3A_45, %swap3A_46], %scan3A_43#0 {strides = array<i32>} : memref<2x16xf32, #tpu.memory_space<vmem>>, vector<16xf32>,
    %swap3A_48 = arith.constant 1 : i32
    %swap3A_49 = arith.index_cast %swap3A_48 : i32 to index
    %swap3A_50 = arith.constant 0 : index
    %swap3A_51 = tpu.vector_load %arg11[%swap3A_49, %swap3A_50] {strides = array<i32>} : memref<2x16xf32, #tpu.memory_space<vmem>>, vector<16xf32>,
    tpu.vector_store %arg11[%swap3A_49, %swap3A_50], %scan3A_43#1 {strides = array<i32>} : memref<2x16xf32, #tpu.memory_space<vmem>>, vector<16xf32>,
    "tpu.region"() ({
      %run_scoped3A = tpu.sem_alloc : memref<!tpu.dma_semaphore, #tpu.memory_space<semaphore_mem>>
      %dma_start3A_52 = arith.constant 0 : i32
      %dma_start3A_53 = arith.constant 0 : i32
      %dma_start3A_54 = tpu.memref_slice %arg5[%add3A, %dma_start3A_52, %dma_start3A_53] : memref<32x2x16xf32, #tpu.memory_space<hbm>> -> memref<1x2x16xf32, #tpu.memory_space<hbm>>
      %dma_start3A_55 = tpu.memref_squeeze %dma_start3A_54 : memref<1x2x16xf32, #tpu.memory_space<hbm>> -> memref<2x16xf32, #tpu.memory_space<hbm>>
      %dma_start3A_56 = arith.constant 0 : i32
      %dma_start3A_57 = arith.constant 0 : i32
      %dma_start3A_58 = tpu.memref_slice %arg5[%add3A, %dma_start3A_56, %dma_start3A_57] : memref<32x2x16xf32, #tpu.memory_space<hbm>> -> memref<1x2x16xf32, #tpu.memory_space<hbm>>
      %dma_start3A_59 = tpu.memref_squeeze %dma_start3A_58 : memref<1x2x16xf32, #tpu.memory_space<hbm>> -> memref<2x16xf32, #tpu.memory_space<hbm>>
      tpu.enqueue_dma source(%arg11 : memref<2x16xf32, #tpu.memory_space<vmem>>) target(%dma_start3A_59 : memref<2x16xf32, #tpu.memory_space<hbm>>) target_semaphore(%run_scoped3A : memref<!tpu.dma_semaphore, #tpu.memory_space<semaphore_mem>>)
      %dma_wait3A_60 = arith.constant 0 : i32
      %dma_wait3A_61 = arith.constant 0 : i32
      %dma_wait3A_62 = tpu.memref_slice %arg5[%add3A, %dma_wait3A_60, %dma_wait3A_61] : memref<32x2x16xf32, #tpu.memory_space<hbm>> -> memref<1x2x16xf32, #tpu.memory_space<hbm>>
      %dma_wait3A_63 = tpu.memref_squeeze %dma_wait3A_62 : memref<1x2x16xf32, #tpu.memory_space<hbm>> -> memref<2x16xf32, #tpu.memory_space<hbm>>
      %dma_wait3A_64 = arith.constant 0 : i32
      %dma_wait3A_65 = arith.constant 0 : i32
      %dma_wait3A_66 = tpu.memref_slice %arg5[%add3A, %dma_wait3A_64, %dma_wait3A_65] : memref<32x2x16xf32, #tpu.memory_space<hbm>> -> memref<1x2x16xf32, #tpu.memory_space<hbm>>
      %dma_wait3A_67 = tpu.memref_squeeze %dma_wait3A_66 : memref<1x2x16xf32, #tpu.memory_space<hbm>> -> memref<2x16xf32, #tpu.memory_space<hbm>>
      tpu.wait_dma2 semaphore(%run_scoped3A : memref<!tpu.dma_semaphore, #tpu.memory_space<semaphore_mem>>) src(%arg11 : memref<2x16xf32, #tpu.memory_space<vmem>>) dst(%dma_wait3A_67 : memref<2x16xf32, #tpu.memory_space<hbm>>)
      tpu.yield
    }) : () -> ()
    return
  }
}

</mosaic_0001>

<sc_bundles>
// kernel: _sc_loss.3.cloned.1.call-start
scs
__scs_entry_jumppad:
0x0: {  	(pc) =	sbr.rel $0x88, $3  }
0x1: {  	(tag) =	ssettag $0x0;
	lr =	simm.s32 $0x1  }
0x2: {  	[smem:$0x3F9E] =	sst lr;
	_ =	strace $0xD0000000  }
0x3: {  	_ = 	snop  }
0x4: {  	_ = 	snop  }
0x5: {  	_ = 	snop  }
0x6: {  	_ = 	snop  }
0x7: {  	_ = 	snop  }
__scs_overlays_trampoline_lowered:
0x8: {  	[smem:$0x3FAD] =	sst s0  }
0x9: {  	[smem:$0x3FAE] =	sst s1  }
0xa: {  	[smem:$0x3FAF] =	sst s2  }
0xb: {  	[smem:$0x3FB0] =	sst s3  }
0xc: {  	[smem:$0x3FB1] =	sst s4  }
0xd: {  	[smem:$0x3FB2] =	sst s5  }
0xe: {  	[smem:$0x3FB3] =	sst s6  }
0xf: {  	[smem:$0x3FB4] =	sst s7  }
0x10: {  	[smem:$0x3FB5] =	sst s8  }
0x11: {  	[smem:$0x3FB6] =	sst s9;
	s0 =	simm.s32 @!p0 $0x0  }
0x12: {  	s1 =	sld [smem:$0x3F9C];
	s0 =	simm.s32 @p0 $0x1  }
0x13: {  	[smem:$0x3FB7] =	sst s0;
	s0 =	simm.s32 @!p1 $0x0  }
0x14: {  	s2 =	sld [smem:$0x3F9B];
	s0 =	simm.s32 @p1 $0x1  }
0x15: {  	[smem:$0x3FB8] =	sst s0;
	s0 =	simm.s32 @!p2 $0x0  }
0x16: {  	s3 =	sld [smem:$0x3FDB];
	s0 =	simm.s32 @p2 $0x1  }
0x17: {  	s4 =	simm.s32 $0x1BF5;
	[smem:$0x3FBA] =	sst s0  }
0x18: {  	s0 =	sld [smem:$0x3F9D];
	_ =	swait.ge [sflag:s4], $0x0  }
0x19: {  	s7 =	sld [smem:$0x3F9E]  }
0x1a: {  	s8 =	sadd.s32 $0xFFFFE003, lr  }
0x1b: {  	s9 =	sadd.s32 $0xFFFFFEF7, lr;
	s5 =	simm.s32 $0xFFFFFFFF;
	p2 =	slt.u32 s8, $0xFFFFF086  }
0x1c: {  	p1 =	slt.u32 s9, $0xF7A;
	s5 =	simm.s32 @!p2 $0x0  }
0x1d: {  	s5 =	simm.s32 @p1 $0x1;
	p0 =	seq.s32 s7, s2  }
0x1e: {  	s7 =	smul.u32 @!p0 $0xF7A, s2;
	p2 =	seq.s32 @!p0 s5, $0x0  }
0x1f: {  	s9 =	smul.u32 $0xF7A, s1;
	s8 =	simm.s32 @!p0 $0x1BF5;
	p2 =	por !p2, p0  }
0x20: {  	[sflag:s8] =	ssyncset.s32 @!p0 $0xFFFFF086;
	s6 =	sadd.s32 @!p0 s3, s7;
	s7 =	simm.s32 @!p0 $0x108  }
0x21: {  	s3 =	sadd.s32 s3, s9;
	s6 =	sadd.s32 @!p0 $0x88, s6;
	s7 =	simm.s32 @p2 $0x1082  }
0x22: {  	[simem:s7], [sflag:s8] =	dma.local @!p0 [hbm:s6], $0xF7A  }
0x23: {  	s9 =	sor.u32 $0xD0000000, s2;
	s6 =	simm.s32 $0x108;
	_ =	swait.ge @!p0 [sflag:s8], $0x0  }
0x24: {  	s3 =	sadd.s32 $0x88, s3;
	s6 =	simm.s32 @!p1 $0x1082;
	[sflag:s4] =	ssyncset.s32 $0xFFFFF086  }
0x25: {  	[simem:s6], [sflag:s4] =	dma.local [hbm:s3], $0xF7A  }
0x26: {  	[smem:$0x3F9E] =	sst s1;
	(tag) =	ssettag s2;
	_ =	strace s9  }
0x27: {  	s1 =	sld [smem:$0x3FAE]  }
0x28: {  	s2 =	sld [smem:$0x3FAF]  }
0x29: {  	s4 =	sld [smem:$0x3FB1]  }
0x2a: {  	p0 =	seq.s32 s5, $0x0;
	s5 =	sld [smem:$0x3FB2]  }
0x2b: {  	s6 =	sld [smem:$0x3FB3]  }
0x2c: {  	s7 =	sld [smem:$0x3FB4]  }
0x2d: {  	s3 =	simm.s32 $0x108;
	s8 =	sld [smem:$0x3FB5]  }
0x2e: {  	s3 =	simm.s32 @!p0 $0x1082;
	s9 =	sld [smem:$0x3FB6]  }
0x2f: {  	lr =	sadd.s32 s0, s3;
	s0 =	sld [smem:$0x3FAD]  }
0x30: {  	s3 =	sld [smem:$0x3FB0]  }
0x31: {  	[smem:$0x3FB9] =	sst s10  }
0x32: {  	s10 =	sld [smem:$0x3FB7];
	_ =	sdelay $0x3  }
0x33: {  	p0 =	seq.s32 s10, $0x1;
	s10 =	sld [smem:$0x3FB9];
	_ =	sdelay $0x3  }
0x34: {  	[smem:$0x3FB9] =	sst s10  }
0x35: {  	s10 =	sld [smem:$0x3FB8];
	_ =	sdelay $0x3  }
0x36: {  	p1 =	seq.s32 s10, $0x1;
	s10 =	sld [smem:$0x3FB9];
	_ =	sdelay $0x3  }
0x37: {  	[smem:$0x3FB9] =	sst s10  }
0x38: {  	s10 =	sld [smem:$0x3FBA]  }
0x39: {  	_ = 	snop;
	(pc) =	sbr.ind lr, $3  }
0x3a: {  	_ = 	snop  }
0x3b: {  	_ = 	snop  }
0x3c: {  	p2 =	seq.s32 s10, $0x1;
	s10 =	sld [smem:$0x3FB9]  }
0x3d: {  	_ =	shalt  }
0x3e: {  	_ =	shalt  }
0x3f: {  	_ =	shalt  }
0x40: {  	_ =	shalt  }
0x41: {  	_ =	shalt  }
0x42: {  	_ =	shalt  }
0x43: {  	_ =	shalt  }
0x44: {  	_ =	shalt  }
0x45: {  	_ =	shalt  }
0x46: {  	_ =	shalt  }
0x47: {  	_ =	shalt  }
0x48: {  	_ =	shalt  }
0x49: {  	_ =	shalt  }
0x4a: {  	_ =	shalt  }
0x4b: {  	_ =	shalt  }
0x4c: {  	_ =	shalt  }
0x4d: {  	_ =	shalt  }
0x4e: {  	_ =	shalt  }
0x4f: {  	_ =	shalt  }
0x50: {  	_ =	shalt  }
0x51: {  	_ =	shalt  }
0x52: {  	_ =	shalt  }
0x53: {  	_ =	shalt  }
0x54: {  	_ =	shalt  }
0x55: {  	_ =	shalt  }
0x56: {  	_ =	shalt  }
0x57: {  	_ =	shalt  }
0x58: {  	_ =	shalt  }
0x59: {  	_ =	shalt  }
0x5a: {  	_ =	shalt  }
0x5b: {  	_ =	shalt  }
0x5c: {  	_ =	shalt  }
0x5d: {  	_ =	shalt  }
0x5e: {  	_ =	shalt  }
0x5f: {  	_ =	shalt  }
0x60: {  	_ =	shalt  }
0x61: {  	_ =	shalt  }
0x62: {  	_ =	shalt  }
0x63: {  	_ =	shalt  }
0x64: {  	_ =	shalt  }
0x65: {  	_ =	shalt  }
0x66: {  	_ =	shalt  }
0x67: {  	_ =	shalt  }
0x68: {  	_ =	shalt  }
0x69: {  	_ =	shalt  }
0x6a: {  	_ =	shalt  }
0x6b: {  	_ =	shalt  }
0x6c: {  	_ =	shalt  }
0x6d: {  	_ =	shalt  }
0x6e: {  	_ =	shalt  }
0x6f: {  	_ =	shalt  }
0x70: {  	_ =	shalt  }
0x71: {  	_ =	shalt  }
0x72: {  	_ =	shalt  }
0x73: {  	_ =	shalt  }
0x74: {  	_ =	shalt  }
0x75: {  	_ =	shalt  }
0x76: {  	_ =	shalt  }
0x77: {  	_ =	shalt  }
0x78: {  	_ =	shalt  }
0x79: {  	_ =	shalt  }
0x7a: {  	_ =	shalt  }
0x7b: {  	_ =	shalt  }
0x7c: {  	_ =	shalt  }
0x7d: {  	_ =	shalt  }
0x7e: {  	_ =	shalt  }
0x7f: {  	_ =	shalt  }
0x80: {  	_ =	shalt  }
0x81: {  	_ =	shalt  }
0x82: {  	_ =	shalt  }
0x83: {  	_ =	shalt  }
0x84: {  	_ =	shalt  }
0x85: {  	_ =	shalt  }
0x86: {  	_ =	shalt  }
0x87: {  	_ =	shalt  }
.Lfunc_end0:
.L_simem_size_0:
called_computation_lowered:
.L_overlay_start_0:
0x88: {  	s2 =	sld [smem:$0x3FD9]  }
0x89: {  	s3 =	sld [smem:$0x3FFE];
	_ =	sdelay $0x1  }
0x8a: {  	s1 =	srdreg.scid  }
0x8b: {  	s0 =	sand.u32 $0x1, s1  }
0x8c: {  	s17 =	sshll.u32 s0, $0xA;
	s2 =	sadd.s32 s3, s2  }
0x8d: {  	s2 =	sadd.s32 s2, s17  }
0x8e: {  	[smem:$0x3FC5] =	sst s2  }
0x8f: {  	_ = 	snop  }
0x90: {  	s2 =	sld [smem:$0x3FC9]  }
0x91: {  	s18 =	sld [smem:$0x3FC8]  }
0x92: {  	s4 =	sld [smem:$0x3FD0];
	(tm) =	ssettm $0x1  }
0x93: {  	s5 =	sld [smem:$0x3FFB];
	_ =	sdelay $0x3  }
0x94: {  	_ =	strace s5  }
0x95: {  	s5 =	sld [smem:$0x3FFC];
	_ =	sdelay $0x3  }
0x96: {  	_ =	strace s5  }
0x97: {  	s5 =	sld [smem:$0x3FFD];
	_ =	sdelay $0x3  }
0x98: {  	_ =	strace s5  }
0x99: {  	_ =	strace $0x8FFFFFFF  }
0x9a: {  	s19 =	sld [smem:$0x3FDB];
	_ =	sdelay $0x1  }
0x9b: {  	s6 =	simm.s32 $_scs_section_size  }
0x9c: {  	s7 =	simm.s32 $_size__tile_overlayer_lowered;
	s8 =	simm.s32 $_tile_overlayer_lowered  }
0x9d: {  	s22 =	simm.s32 $0x1BFF;
	s21 =	sshll.u32 s8, $0x1;
	s5 =	sadd.s32 s6, s19  }
0x9e: {  	s9 =	simm.s32 $0x0;
	s20 =	sshll.u32 s7, $0x1;
	s7 =	sadd.s32 s21, s5  }
0x9f: {  	[timem:s9], [sflag:s22] =	dma.local [hbm:s7], s20  }
0xa0: {  	_ =	swait.ge [sflag:s22], s20  }
0xa1: {  	s6 =	ssub.s32 $0x0, s20;
	[sflag:s22] =	ssyncset.done $0x0  }
0xa2: {  	[sflag:s22] =	ssyncadd.s32 s6;
	_ =	sdelay $0x1  }
0xa3: {  	s23 =	simm.s32 $0x1B8B  }
0xa4: {  	_ =	swait.ge [sflag:s23], $0x1  }
0xa5: {  	[sflag:s23] =	ssyncset.done $0x0  }
0xa6: {  	s25 =	simm.s32 $0x1B8E;
	s24 =	sld [smem:$0x3FFE];
	[sflag:s23] =	ssyncadd.s32 $0xFFFFFFFF  }
0xa7: {  	s26 =	simm.s32 $execute0_lowered;
	[smem:$0x3FD2] =	sst s25  }
0xa8: {  	s7 =	sshll.u32 s26, $0x1;
	_ =	strace $0x80000046;
	[dreg:$0x1] =	wrdreg $0xFFFFFFFF  }
0xa9: {  	s28 =	simm.s32 $_size_execute0_lowered;
	s5 =	sadd.s32 s5, s7;
	[dreg:$0x0] =	wrdreg $0x0  }
0xaa: {  	s7 =	sshll.u32 s28, $0x1;
	[dreg:$0x2] =	wrdreg s5  }
0xab: {  	[dreg:$0x3] =	wrdreg s7  }
0xac: {  	[dreg:$0x4] =	wrdreg $0xC0  }
0xad: {  	_ =	task [dreg:s9], $0x5FFFF  }
0xae: {  	[dreg:$0x1] =	wrdreg $0xFFFFFFFF  }
0xaf: {  	[dreg:$0x0] =	wrdreg $0x60  }
0xb0: {  	[dreg:$0x2] =	wrdreg s2  }
0xb1: {  	[dreg:$0x3] =	wrdreg s18  }
0xb2: {  	[dreg:$0x4] =	wrdreg s24  }
0xb3: {  	[dreg:$0x5] =	wrdreg s4  }
0xb4: {  	[dreg:$0x6] =	wrdreg $0x9  }
0xb5: {  	_ =	task.clear_ibuf [dreg:s9], $0x7FFFF;
	_ =	strace $0x90000046  }
0xb6: {  	s29 =	simm.s32 $0x9;
	_ =	strace $0x80000048  }
0xb7: {  	_ =	swait.ge [sflag:s29], $0x1  }
0xb8: {  	[sflag:s29] =	ssyncadd.s32 $0xFFFFFFFF  }
0xb9: {  	_ =	strace $0x90000048  }
0xba: {  	_ =	sfence  }
0xbb: {  	s30 =	sld [smem:$0x0];
	_ =	sdelay $0x2  }
0xbc: {  	s31 =	sshll.u32 s1, $0xD;
	s1 =	sshrl.u32 s1, $0x2  }
0xbd: {  	s3 =	sand.u32 $0x4000, s31;
	s1 =	sadd.s32 s1, s30  }
0xbe: {  	s0 =	sor.u32 s3, s0;
	s1 =	sshll.u32 s1, $0x11  }
0xbf: {  	s0 =	sor.u32 s1, s0  }
0xc0: {  	s0 =	sadd.s32 $0x8F2B, s0  }
0xc1: {  	[sflag:s0] =	ssyncadd.remote.s32 $0x1  }
0xc2: {  	_ =	sfence.sel $0xFFFF  }
0xc3: {  	[dreg:$0x0] =	wrdreg $0xFFFFFFFF;
	(pc) =	sbr.abs _section_cstart, $3  }
0xc4: {  	[dreg:$0x1] =	wrdreg $0xFFFFFFFF  }
0xc5: {  	_ =	task.clear_ibuf [dreg:s9], $0x2FFFF;
	_ =	strace $0x9FFFFFFF  }
0xc6: {  	(tm) =	ssettm $0x7FFFFFFF  }
0xc7: {  	_ =	shalt  }
tec
execute0_lowered:
.L_overlay_start_1:
0x0: {  	(tag) =	ssettag $0x1  }
0x1: {  	s4 =	rddreg [dreg:$0x0]  }
0x2: {  	s8 =	rddreg [dreg:$0x1]  }
0x3: {  	s0 =	srdreg.scid;
	s3 =	rddreg [dreg:$0x2]  }
0x4: {  	s9 =	rddreg [dreg:$0x3];
	s1 =	stileid.u32;
	s2 =	simm.s32 $0x0  }
0x5: {  	s14 =	simm.s32 $0x12BE8;
	s15 =	simm.s32 $0x12FE8;
	s16 =	simm.s32 $0x1000  }
0x6: {  	s17 =	simm.s32 $0x3E8;
	s18 =	simm.s32 $0x23E8;
	s5 =	sand.u32 $0x1, s0  }
0x7: {  	s20 =	simm.s32 $0x133E8;
	s0 =	rddreg [dreg:$0x4];
	s6 =	sshll.u32 s5, $0x4  }
0x8: {  	s21 =	simm.s32 $0x0;
	[smem:$0x7FF] =	sst s2;
	s10 =	sor.u32 s1, s6  }
0x9: {  	s3 =	sadd.s32 $0xB1C000, s3;
	s5 =	ssub.s32 $0x2, s5;
	s6 =	smul.u32 $0x7D, s10  }
0xa: {  	_ =	strace $0x80000047;
	s11 =	sshrl.u32 s5, $0x1;
	s7 =	smul.u32 $0xFA0, s10  }
0xb: {  	v0 =	vlaneseq.u32;
	s12 =	smul.u32 $0x1F4, s10;
	s11 =	ssub.s32 s5, s11;
	s31 =	sshll.u32 s10, $0x2  }
0xc: {  	v2 =	vand.u32 $0x3, v0;
	s19 =	smul.u32 $0x58DE0, s10;
	s9 =	sadd.s32 s9, s31;
	s10 =	smax.u32 s11, $0x1  }
0xd: {  	v1 =	vmul.u32 $0x3E8, v2;
	s11 =	simm.s32 $0x2;
	s4 =	sadd.s32 s4, s6;
	s28 =	sadd.s32 $0x3E8, s7  }
0xe: {  	s5 =	sadd.s32 s8, s12;
	s29 =	sshrl.u32 s7, $0x3;
	s13 =	sadd.s32 $0xBB8, s7  }
0xf: {  	v1 =	vadd.s32 s19, v1;
	s19 =	simm.s32 $0x1;
	s6 =	sshrl.u32 s28, $0x3;
	s12 =	sadd.s32 s8, s29  }
0x10: {  	s30 =	sshrl.u32 s13, $0x3;
	s13 =	simm.s32 $0x127E8;
	s6 =	sadd.s32 s8, s6  }
0x11: {  	v3 =	vimm.f32 $0.0e+00;
	v2 =	vmul.u32 $0x400, v2;
	s7 =	sadd.s32 $0xFA, s12;
	s8 =	sadd.s32 s8, s30;
	s12 =	simm.s32 $0x123E8  }
.LBB2_1:
0x12: {  	[tilespmem:s2], [sflag:$0x2] =	stream.linear.gather [hbm4b:s4+s2], $0x3E8, $0x38;
	[tilespmem:$0x13408] =	vst v63  }
0x13: {  	_ =	swait.ge [sflag:s11], $0x3E8  }
0x14: {  	[sflag:s11] =	ssyncset.done $0x0  }
0x15: {  	[sflag:s11] =	ssyncadd.s32 $0xFFFFFC18  }
0x16: {  	[tilespmem:s12], [sflag:$0x2] =	stream.linear.gather [hbm4b:s5+s2], $0x3E8, $0x38;
	[tilespmem:$0x13408] =	vst v63  }
0x17: {  	_ =	swait.ge [sflag:s11], $0x3E8  }
0x18: {  	[sflag:s11] =	ssyncset.done $0x0  }
0x19: {  	[sflag:s11] =	ssyncadd.s32 $0xFFFFFC18  }
0x1a: {  	[tilespmem:s13], [sflag:$0x2] =	stream.linear.gather [hbm4b:s6+s2], $0x3E8, $0x38;
	[tilespmem:$0x13408] =	vst v63  }
0x1b: {  	_ =	swait.ge [sflag:s11], $0x3E8  }
0x1c: {  	[sflag:s11] =	ssyncset.done $0x0  }
0x1d: {  	[sflag:s11] =	ssyncadd.s32 $0xFFFFFC18  }
0x1e: {  	[tilespmem:s14], [sflag:$0x2] =	stream.linear.gather [hbm4b:s7+s2], $0x3E8, $0x38;
	[tilespmem:$0x13408] =	vst v63  }
0x1f: {  	v4 =	vor.u32 s2, v0;
	_ =	swait.ge [sflag:s11], $0x3E8  }
0x20: {  	v4 =	vshrl.u32 v4, $0x2;
	[sflag:s11] =	ssyncset.done $0x0  }
0x21: {  	v4 =	vmin.u32 v4, $0x3E7;
	[sflag:s11] =	ssyncadd.s32 $0xFFFFFC18  }
0x22: {  	[tilespmem:s15], [sflag:$0x2] =	stream.linear.gather [hbm4b:s8+s2], $0x3E8, $0x38;
	[tilespmem:$0x13408] =	vst v63  }
0x23: {  	_ =	swait.ge [sflag:s11], $0x3E8  }
0x24: {  	[sflag:s11] =	ssyncset.done $0x0  }
0x25: {  	[sflag:s11] =	ssyncadd.s32 $0xFFFFFC18  }
0x26: {  	v5 =	vld.idx.msk [tilespmem:v4+s2+$0x0], $0xffff;
	_ =	sdelay $0x4  }
0x27: {  	vm0 =	vgt.s32 v5, $0x0  }
0x28: {  	v5 =	vnsel vm0, $0x0, v5  }
0x29: {  	v5 =	vmin.u32 v5, $0x5A  }
0x2a: {  	s23 =	simm.s32 $0x10;
	v5 =	vmul.u32 $0xFA0, v5  }
0x2b: {  	v7 =	vor.u32 s23, v0;
	v4 =	vadd.s32 v4, v1  }
0x2c: {  	v6 =	vmov s2;
	v5 =	vadd.s32 v5, v4;
	v4 =	vshrl.u32 v7, $0x2  }
0x2d: {  	vm1 =	vlt.u32 v6, $0xFA0;
	v4 =	vmin.u32 v4, $0x3E7  }
0x2e: {  	vm0 =	vmand vm1, vm0;
	v6 =	vshrl.u32 v5, $0x4  }
0x2f: {  	s22 =	simm.s32 $0x13E8;
	s25 =	simm.s32 $0x20;
	s24 =	simm.s32 $0x3E8;
	v5 =	vnsel vm0, $0xFFFFFFFF, v5;
	[tilespmem:s17+$0x0] =	vst v6  }
.LBB2_2:
0x30: {  	s24 =	sadd.s32 $0x10, s24  }
0x31: {  	[tilespmem:s22+$0x0] =	vst v5;
	s22 =	sadd.s32 $0x10, s22;
	s26 =	smov.u32 s25;
	s28 =	sadd.s32 $0x10, s25  }
0x32: {  	p0 =	sne.s32 s25, $0xFF0;
	v5 =	vld.idx.msk [tilespmem:v4+s2+$0x0], $0xffff;
	_ =	sdelay $0x5  }
0x33: {  	vm0 =	vgt.s32 v5, $0x0  }
0x34: {  	v5 =	vnsel vm0, $0x0, v5  }
0x35: {  	v6 =	vor.u32 s26, v0;
	v5 =	vmin.u32 v5, $0x5A  }
.Ltmp0:
0x36: {  	v6 =	vshrl.u32 v6, $0x2;
	v5 =	vmul.u32 $0xFA0, v5;
	(pc) =	sbr.rel @p0 .LBB2_2-.Ltmp0, $4  }
0x37: {  	v7 =	vmov s23;
	v8 =	vadd.s32 v4, v1;
	s23 =	smov.u32 s26;
	v4 =	vmin.u32 v6, $0x3E7  }
0x38: {  	vm1 =	vlt.u32 v7, $0xFA0;
	v5 =	vadd.s32 v5, v8  }
0x39: {  	vm0 =	vmand vm1, vm0;
	v6 =	vshrl.u32 v5, $0x4  }
0x3a: {  	s25 =	smov.u32 s28;
	v5 =	vnsel vm0, $0xFFFFFFFF, v5;
	[tilespmem:s24+$0x0] =	vst v6  }
0x3b: {  	_ =	sdelay $0x2  }
0x3c: {  	[tilespmem:s22+$0x0] =	vst v5  }
0x3d: {  	v5 =	vld.idx.msk [tilespmem:v4+s2+$0x0], $0xffff;
	_ =	sdelay $0x4  }
0x3e: {  	vm0 =	vgt.s32 v5, $0x0  }
0x3f: {  	v5 =	vnsel vm0, $0x0, v5  }
0x40: {  	v5 =	vmin.u32 v5, $0x5A  }
0x41: {  	v5 =	vmul.u32 $0xFA0, v5  }
0x42: {  	v6 =	vmov s23;
	v4 =	vadd.s32 v4, v1  }
0x43: {  	vm1 =	vlt.u32 v6, $0xFA0;
	v4 =	vadd.s32 v5, v4  }
0x44: {  	s30 =	sadd.s32 $0x10, s24;
	vm0 =	vmand vm1, vm0;
	v5 =	vshrl.u32 v4, $0x4  }
0x45: {  	s31 =	sadd.s32 $0x10, s22;
	v4 =	vnsel vm0, $0xFFFFFFFF, v4;
	[tilespmem:s30+$0x0] =	vst v5  }
0x46: {  	[tilespmem:s31+$0x0] =	vst v4  }
0x47: {  	[tilespmem:s18], [sflag:$0x1] =	stream.indirect.gather [hbm4b:s3+s16], $0x10, s17, s16, $0xb8;
	[tilespmem:$0x13408] =	vst v63  }
0x48: {  	_ =	swait.ge [sflag:s19], $0x10000  }
0x49: {  	[sflag:s19] =	ssyncset.done $0x0  }
0x4a: {  	s23 =	simm.s32 $0x13E8;
	[sflag:s19] =	ssyncadd.s32 $0xFFFF0000  }
0x4b: {  	v6 =	vld [tilespmem:s23+$0x0]  }
0x4c: {  	s24 =	simm.s32 $0x0  }
0x4d: {  	v4 =	vor.u32 s24, v0  }
0x4e: {  	v5 =	vshrl.u32 v4, $0x2  }
0x4f: {  	v5 =	vor.u32 v2, v5  }
0x50: {  	s25 =	simm.s32 $0x13F8;
	v4 =	vshll.u32 v4, $0x4;
	v7 =	vand.u32 $0xF, v6  }
0x51: {  	v7 =	vor.u32 v4, v7;
	v4 =	vld [tilespmem:s25+$0x0]  }
0x52: {  	s26 =	simm.s32 $0x10  }
0x53: {  	v8 =	vor.u32 s26, v0  }
0x54: {  	s28 =	simm.s32 $0x1408;
	v9 =	vshrl.u32 v8, $0x2;
	v10 =	vld.idx.msk [tilespmem:v5+s12+$0x0], $0xffff  }
0x55: {  	v9 =	vor.u32 v2, v9;
	v5 =	vld [tilespmem:s28+$0x0]  }
0x56: {  	v8 =	vshll.u32 v8, $0x4;
	v7 =	vld.idx.msk [tilespmem:v7+s18+$0x0], $0xffff;
	v11 =	vand.u32 $0xF, v4  }
0x57: {  	v8 =	vor.u32 v8, v11  }
0x58: {  	s29 =	simm.s32 $0x20  }
0x59: {  	v11 =	vor.u32 s29, v0  }
0x5a: {  	s30 =	simm.s32 $0x1418;
	v16 =	vld.idx.msk [tilespmem:v9+s12+$0x0], $0xffff;
	v12 =	vshll.u32 v11, $0x4;
	v11 =	vshrl.u32 v11, $0x2  }
0x5b: {  	v9 =	vor.u32 v2, v11;
	v11 =	vand.u32 $0xF, v5;
	v10 =	vsub.f32 v10, v7;
	v7 =	vld [tilespmem:s30+$0x0]  }
0x5c: {  	s31 =	simm.s32 $0x30;
	v11 =	vor.u32 v12, v11;
	v18 =	vld.idx.msk [tilespmem:v8+s18+$0x0], $0xffff  }
0x5d: {  	v12 =	vor.u32 s31, v0;
	v10 =	vand.u32 $0x7FFFFFFF, v10  }
0x5e: {  	v15 =	vshrl.u32 v12, $0x2;
	v14 =	vmul.f32 $5.000000000e-01, v10  }
0x5f: {  	v13 =	vshll.u32 v12, $0x4;
	v8 =	vimm.f32 $0.0e+00;
	v12 =	vor.u32 v2, v15  }
0x60: {  	v9 =	vld.idx.msk [tilespmem:v9+s12+$0x0], $0xffff;
	v15 =	vadd.f32 $-5.000000000e-01, v10;
	vm0 =	vlt.f32 v10, $1.000000000e+00;
	v14 =	vmul.f32 v14, v10  }
0x61: {  	s22 =	simm.s32 $0x40;
	s23 =	simm.s32 $0x1428;
	v11 =	vld.idx.msk [tilespmem:v11+s18+$0x0], $0xffff;
	v17 =	vand.u32 $0xF, v7;
	v10 =	vimm.f32 $0.0e+00;
	v16 =	vsub.f32 v16, v18  }
.LBB2_4:
0x62: {  	v18 =	vld [tilespmem:s23+$0x0];
	p0 =	sne.s32 s22, $0xFF0;
	v19 =	vor.u32 v13, v17;
	vm1 =	vgt.s32 v6, $0xFFFFFFFF;
	v13 =	vsel vm0, v14, v15;
	v6 =	vmovc v4;
	v4 =	vmovc v5;
	s24 =	smov.u32 s22;
	s22 =	sadd.s32 $0x10, s22  }
.Ltmp1:
0x63: {  	v5 =	vmovc v7;
	v20 =	vand.u32 $0x7FFFFFFF, v16;
	v13 =	vnsel vm1, $0x0, v13;
	v14 =	vsel vm1, $0x3F800000, v3;
	(pc) =	sbr.rel @p0 .LBB2_4-.Ltmp1, $4  }
0x64: {  	v7 =	vor.u32 s24, v0;
	v15 =	vmul.f32 $5.000000000e-01, v20;
	v8 =	vadd.f32 v13, v8  }
0x65: {  	v13 =	vshll.u32 v7, $0x4;
	v21 =	vshrl.u32 v7, $0x2;
	v10 =	vadd.f32 v14, v10  }
0x66: {  	v16 =	vmovc v9;
	v14 =	vmul.f32 v15, v20;
	v15 =	vadd.f32 $-5.000000000e-01, v20;
	v9 =	vld.idx.msk [tilespmem:v12+s12+$0x0], $0xffff;
	v12 =	vor.u32 v2, v21  }
0x67: {  	s23 =	sadd.s32 $0x10, s23;
	vm0 =	vlt.f32 v20, $1.000000000e+00;
	v16 =	vsub.f32 v16, v11;
	v17 =	vand.u32 $0xF, v18;
	v11 =	vld.idx.msk [tilespmem:v19+s18+$0x0], $0xffff;
	v7 =	vmovc v18  }
0x68: {  	v13 =	vor.u32 v13, v17;
	_ =	sdelay $0x3  }
0x69: {  	v12 =	vld.idx.msk [tilespmem:v12+s12+$0x0], $0xffff  }
0x6a: {  	v13 =	vld.idx.msk [tilespmem:v13+s18+$0x0], $0xffff  }
0x6b: {  	vm1 =	vgt.s32 v6, $0xFFFFFFFF;
	v48 =	vsel vm0, v14, v15;
	v16 =	vand.u32 $0x7FFFFFFF, v16  }
0x6c: {  	vm11 =	vgt.s32 v4, $0xFFFFFFFF;
	vm13 =	vgt.s32 v5, $0xFFFFFFFF;
	v49 =	vmul.f32 $5.000000000e-01, v16  }
0x6d: {  	vm15 =	vgt.s32 v7, $0xFFFFFFFF;
	v6 =	vnsel vm1, $0x0, v48;
	v9 =	vsub.f32 v9, v11  }
0x6e: {  	v50 =	vsel vm1, $0x3F800000, v3;
	v51 =	vadd.f32 $-5.000000000e-01, v16;
	v14 =	vmul.f32 v49, v16  }
0x6f: {  	vm10 =	vlt.f32 v16, $1.000000000e+00;
	v52 =	vand.u32 $0x7FFFFFFF, v9;
	v53 =	vsub.f32 v12, v13  }
0x70: {  	v55 =	vsel vm11, $0x3F800000, v3;
	v4 =	vsel vm10, v14, v51;
	v54 =	vmul.f32 $5.000000000e-01, v52  }
0x71: {  	v6 =	vadd.f32 v6, v8;
	v4 =	vnsel vm11, $0x0, v4;
	v56 =	vand.u32 $0x7FFFFFFF, v53  }
0x72: {  	v58 =	vadd.f32 $-5.000000000e-01, v52;
	v57 =	vmul.f32 v54, v52;
	v59 =	vmul.f32 $5.000000000e-01, v56  }
0x73: {  	v10 =	vadd.f32 v50, v10;
	vm12 =	vlt.f32 v52, $1.000000000e+00;
	v4 =	vadd.f32 v4, v6  }
0x74: {  	v5 =	vsel vm12, v57, v58;
	v61 =	vadd.f32 $-5.000000000e-01, v56;
	v60 =	vmul.f32 v59, v56  }
0x75: {  	v10 =	vadd.f32 v55, v10;
	v5 =	vnsel vm13, $0x0, v5;
	vm14 =	vlt.f32 v56, $1.000000000e+00  }
0x76: {  	v62 =	vsel vm13, $0x3F800000, v3;
	v4 =	vadd.f32 v5, v4;
	v5 =	vsel vm14, v60, v61  }
0x77: {  	v63 =	vadd.f32 v62, v10;
	v5 =	vnsel vm15, $0x0, v5  }
0x78: {  	v7 =	vsel vm15, $0x3F800000, v3;
	v4 =	vadd.f32 v5, v4  }
0x79: {  	s21 =	sadd.s32 $0x1, s21;
	v5 =	vadd.f32 v7, v63  }
0x7a: {  	p0 =	sne.s32 s21, s10;
	[tilespmem:$0x133E8] =	vst v4  }
.Ltmp2:
0x7b: {  	[tilespmem:$0x133F8] =	vst v5;
	(pc) =	sbr.rel @p0 .LBB2_1-.Ltmp2, $4  }
0x7c: {  	[hbm4b:s9+s2] =	stream.linear.scatter [tilespmem:s20], [sflag:$0x2], $0x20, $0x38;
	[tilespmem:$0x13408] =	vst v63  }
0x7d: {  	_ =	swait.ge [sflag:s11], $0x20  }
0x7e: {  	[sflag:s11] =	ssyncset.done $0x0  }
0x7f: {  	[sflag:s11] =	ssyncadd.s32 $0xFFFFFFE0  }
0x80: {  	_ =	sfence.sel $0x180000  }
0x81: {  	[bflag:$0x0] =	sbarrier.arrive $0xFFFF  }
0x82: {  	p0 =	sne.s32 s1, $0x0;
	_ =	strace $0x90000047  }
0x83: {  	s0 =	sadd.s32 @!p0 $0x100000, s0;
	[bflag:$0x2] =	sbarrier.arrive $0xFFFF  }
0x84: {  	[sflag:s0] =	ssyncadd.tile.s32 @!p0 $0x1;
	_ =	shalt  }
.Lfunc_end2:
_tile_overlayer_lowered:
.L_overlay_start_2:
0x85: {  	(tag) =	ssettag $0x2  }
0x86: {  	s0 =	rddreg [dreg:$0x0];
	s2 =	stileid.u32  }
0x87: {  	s1 =	rddreg [dreg:$0x1];
	p0 =	sne.s32 s2, $0x0  }
0x88: {  	s3 =	rddreg [dreg:$0x2];
	[bflag:$0x3] =	sbarrier.arrive $0xFFFF;
	s2 =	simm.s32 @!p0 $0x1C02  }
0x89: {  	[timem:s3], [sflag:s2] =	dma.local @!p0 [hbm:s0], s1  }
0x8a: {  	s0 =	simm.s32 @!p0 $0x2  }
0x8b: {  	_ =	swait.ge @!p0 [sflag:s0], s1  }
0x8c: {  	s1 =	ssub.s32 @!p0 $0x0, s1;
	[sflag:s0] =	ssyncset.done @!p0 $0x0  }
0x8d: {  	[sflag:s0] =	ssyncadd.s32 @!p0 s1  }
0x8e: {  	[bflag:$0x3] =	sbarrier.arrive $0xFFFF  }
0x8f: {  	_ =	shalt  }

</sc_bundles>
